<compile_context>
chip_gen: v7x
topology: tpu7x:2x2x1
jax: 0.10.2.dev20260603
libtpu: 0.0.44.dev20260713+nightly
codegen_flags: <defaults>
</compile_context>

<pallas_src>
import functools

import jax
import jax.numpy as jnp
from jax import lax
from jax.experimental import pallas as pl
from jax.experimental.pallas import tpu as pltpu
from jax.experimental.pallas import tpu_sc as plsc

_EPB = 2
_LANES = 16


def _sc_dispatch(ids_flat, tw_flat, m, e_total, topk):
    info = plsc.get_sparse_core_info()
    nc, ns = info.num_cores, info.num_subcores
    nw = nc * ns
    tok_pw = m // nw
    slots_pw = tok_pw * topk
    out_pw = tok_pw * e_total
    mesh = plsc.VectorSubcoreMesh(core_axis_name="c", subcore_axis_name="s")

    @functools.partial(
        pl.kernel, mesh=mesh,
        out_type=jax.ShapeDtypeStruct((m * e_total,), jnp.float32),
        scratch_types=[
            pltpu.VMEM((slots_pw,), jnp.int32),
            pltpu.VMEM((slots_pw,), jnp.float32),
            pltpu.VMEM((slots_pw,), jnp.int32),
            pltpu.VMEM((out_pw,), jnp.float32),
            pltpu.VMEM_SHARED((ns * out_pw,), jnp.float32),
        ],
    )
    def k(ids_hbm, tw_hbm, out_hbm, ids_v, tw_v, idx_v, zero_v, shared):
        s_idx = lax.axis_index("s")
        c_idx = lax.axis_index("c")
        wid = s_idx * nc + c_idx
        pltpu.sync_copy(ids_hbm.at[pl.ds(wid * slots_pw, slots_pw)], ids_v)
        pltpu.sync_copy(tw_hbm.at[pl.ds(wid * slots_pw, slots_pw)], tw_v)
        iota = lax.iota(jnp.int32, _LANES)
        for b in range(slots_pw // _LANES):
            eid = ids_v[pl.ds(b * _LANES, _LANES)]
            lslot = iota + b * _LANES
            ltok = lax.shift_right_logical(lslot, topk.bit_length() - 1)
            idx = (s_idx * tok_pw + ltok) * e_total + eid
            idx_v[pl.ds(b * _LANES, _LANES)] = idx
        for b in range(out_pw // _LANES):
            zero_v[pl.ds(b * _LANES, _LANES)] = jnp.zeros((_LANES,),
                                                          jnp.float32)
        pltpu.sync_copy(zero_v, shared.at[pl.ds(s_idx * out_pw, out_pw)])
        pltpu.sync_copy(tw_v, shared.at[idx_v], add=True)
        pltpu.sync_copy(shared.at[pl.ds(s_idx * out_pw, out_pw)],
                        out_hbm.at[pl.ds(wid * out_pw, out_pw)])

    return k(ids_flat, tw_flat)


def _moe_body(x_ref, w1g_ref, w1u_ref, w2a_ref, w2b_ref, wpe_ref, out_ref):
    g = pl.program_id(0)
    x = x_ref[...]
    dn = (((1,), (1,)), ((), ()))
    kh = w2a_ref.shape[2]
    for i in range(_EPB):
        gate = jax.lax.dot_general(x, w1g_ref[i, 0], dn,
                                   preferred_element_type=jnp.float32)
        up = jax.lax.dot_general(x, w1u_ref[i, 0], dn,
                                 preferred_element_type=jnp.float32)
        act = gate * jax.nn.sigmoid(gate) * up
        ya = jax.lax.dot_general(act, w2a_ref[i, 0], dn,
                                 preferred_element_type=jnp.float32)
        yb = jax.lax.dot_general(act, w2b_ref[i, 0], dn,
                                 preferred_element_type=jnp.float32)
        wpe = wpe_ref[i]
        if i == 0:
            @pl.when(g == 0)
            def _init():
                out_ref[:, :kh] = wpe * ya
                out_ref[:, kh:] = wpe * yb

            @pl.when(g > 0)
            def _acc():
                out_ref[:, :kh] += wpe * ya
                out_ref[:, kh:] += wpe * yb
        else:
            out_ref[:, :kh] += wpe * ya
            out_ref[:, kh:] += wpe * yb


def kernel(hidden_states, w1, w2, topk_weights, topk_ids):
    m, k = hidden_states.shape
    e_total, two_n, _ = w1.shape
    n = w2.shape[2]
    topk = topk_ids.shape[1]
    kh = k // 2
    wpe_flat = _sc_dispatch(topk_ids.reshape(-1), topk_weights.reshape(-1),
                            m, e_total, topk)
    wpe = wpe_flat.reshape(m, e_total).T.reshape(e_total, m, 1)
    w1r = w1.reshape(e_total, 2, n, k)
    w2r = w2.reshape(e_total, 2, kh, n)
    return pl.pallas_call(
        _moe_body,
        grid=(e_total // _EPB,),
        in_specs=[
            pl.BlockSpec((m, k), lambda g: (0, 0)),
            pl.BlockSpec((_EPB, 1, n, k), lambda g: (g, 0, 0, 0)),
            pl.BlockSpec((_EPB, 1, n, k), lambda g: (g, 1, 0, 0)),
            pl.BlockSpec((_EPB, 1, kh, n), lambda g: (g, 0, 0, 0)),
            pl.BlockSpec((_EPB, 1, kh, n), lambda g: (g, 1, 0, 0)),
            pl.BlockSpec((_EPB, m, 1), lambda g: (g, 0, 0)),
        ],
        out_specs=pl.BlockSpec((m, k), lambda g: (0, 0)),
        out_shape=jax.ShapeDtypeStruct((m, k), jnp.float32),
        compiler_params=pltpu.CompilerParams(
            dimension_semantics=("arbitrary",)),
    )(hidden_states, w1r, w1r, w2r, w2r, wpe)

# --- scband reference (transcript-rebuilt; emitter-appended) ---
"""Pipeline reference for scband-fused-mo-emodular-kernel-10350871183626 (READ-ONLY COPY).

The authoritative reference and input builder live on the scoring server;
editing this copy changes nothing except your own understanding.
"""

import jax, jax.numpy as jnp
import numpy as np


def setup_inputs(seed: int = 0) -> dict:
    key = jax.random.key(seed)
    k1, k2, k3, k4, k5 = jax.random.split(key, 5)
    M, K, N, E, topk = 128, 1024, 512, 64, 8
    hidden_states = jax.random.normal(k1, (M, K), dtype=jnp.float32)
    w1 = jax.random.normal(k2, (E, 2 * N, K), dtype=jnp.float32) * 0.02
    w2 = jax.random.normal(k3, (E, K, N), dtype=jnp.float32) * 0.02
    topk_weights = jax.random.uniform(k4, (M, topk), dtype=jnp.float32)
    topk_ids = jax.random.randint(k5, (M, topk), 0, E).astype(jnp.int32)
    return {
        "hidden_states": hidden_states,
        "w1": w1,
        "w2": w2,
        "topk_weights": topk_weights,
        "topk_ids": topk_ids,
    }


def reference(hidden_states, w1, w2, topk_weights, topk_ids):
    # Faithful fused-MoE semantics (vLLM FusedMoEModularKernel):
    # dispatch tokens to top-k experts, per-expert gated MLP
    # (silu activation on gate half), unpermute/combine with topk_weights.
    # Implemented densely over experts (exact, no token dropping):
    # the per-(token, slot) result equals x @ w1[e].T -> silu-gate -> @ w2[e].T.
    E = w1.shape[0]
    N = w2.shape[2]
    # per-expert first GEMM over all tokens: [E, M, 2N]
    h = jnp.einsum('mk,enk->emn', hidden_states, w1)
    gate = h[..., :N]
    up = h[..., N:]
    act = jax.nn.silu(gate) * up  # activation='silu' (SwiGLU)
    # second GEMM back to model dim: [E, M, K]
    expert_out = jnp.einsum('emn,ekn->emk', act, w2)
    # combine: out[m] = sum_t topk_weights[m,t] * expert_out[topk_ids[m,t], m]
    onehot = jax.nn.one_hot(topk_ids, E, dtype=topk_weights.dtype)  # [M, topk, E]
    weight_per_expert = jnp.einsum('mt,mte->em', topk_weights, onehot)  # [E, M]
    out = jnp.einsum('em,emk->mk', weight_per_expert, expert_out)
    return out.astype(hidden_states.dtype)


if False:  # reference __main__ guard neutralized (emitter)
    inp = setup_inputs()
    out = reference(**inp)
    print(out.shape, out.dtype)

if __name__ == "__main__":
    import jax
    _d = setup_inputs()
    print(jax.jit(kernel)(*tuple(_d.values())))

</pallas_src>

<mosaic_0001>
#map = affine_map<(d0, d1) -> (0)>
module attributes {stable_mosaic.version = 14 : i64} {
  func.func @k(%arg0: i32, %arg1: i32, %arg2: memref<1024xi32, #tpu.memory_space<hbm>>, %arg3: memref<1024xf32, #tpu.memory_space<hbm>>, %arg4: memref<8192xf32, #tpu.memory_space<hbm>>, %arg5: memref<32xi32, #tpu.memory_space<vmem>>, %arg6: memref<32xf32, #tpu.memory_space<vmem>>, %arg7: memref<32xi32, #tpu.memory_space<vmem>>, %arg8: memref<256xf32, #tpu.memory_space<vmem>>, %arg9: memref<4096xf32, #tpu.memory_space<vmem_shared>>) attributes {dimension_semantics = [#tpu.dimension_semantics<core_parallel>, #tpu.dimension_semantics<subcore_parallel>], iteration_bounds = array<i64: 2, 16>, scalar_prefetch = 0 : i64, scratch_operands = 5 : i64, tpu.core_type = #tpu.core_type<sc_vector_subcore>, window_params = [{transform_indices = #map}, {transform_indices = #map}, {transform_indices = #map}]} {
    %mul3A = arith.constant 2 : i32
    %mul3A_0 = arith.muli %arg1, %mul3A : i32
    %add3A = arith.addi %mul3A_0, %arg0 : i32
    %mul3A_1 = arith.constant 32 : i32
    %mul3A_2 = arith.muli %add3A, %mul3A_1 : i32
    "tpu.region"() ({
      %run_scoped3A = tpu.sem_alloc : memref<!tpu.dma_semaphore, #tpu.memory_space<semaphore_mem>>
      %dma_start3A = tpu.memref_slice %arg2[%mul3A_2] : memref<1024xi32, #tpu.memory_space<hbm>> -> memref<32xi32, #tpu.memory_space<hbm>>
      %dma_start3A_145 = tpu.memref_slice %arg2[%mul3A_2] : memref<1024xi32, #tpu.memory_space<hbm>> -> memref<32xi32, #tpu.memory_space<hbm>>
      tpu.enqueue_dma source(%dma_start3A_145 : memref<32xi32, #tpu.memory_space<hbm>>) target(%arg5 : memref<32xi32, #tpu.memory_space<vmem>>) target_semaphore(%run_scoped3A : memref<!tpu.dma_semaphore, #tpu.memory_space<semaphore_mem>>)
      %dma_wait3A = tpu.memref_slice %arg2[%mul3A_2] : memref<1024xi32, #tpu.memory_space<hbm>> -> memref<32xi32, #tpu.memory_space<hbm>>
      %dma_wait3A_146 = tpu.memref_slice %arg2[%mul3A_2] : memref<1024xi32, #tpu.memory_space<hbm>> -> memref<32xi32, #tpu.memory_space<hbm>>
      tpu.wait_dma2 semaphore(%run_scoped3A : memref<!tpu.dma_semaphore, #tpu.memory_space<semaphore_mem>>) src(%dma_wait3A_146 : memref<32xi32, #tpu.memory_space<hbm>>) dst(%arg5 : memref<32xi32, #tpu.memory_space<vmem>>)
      tpu.yield
    }) : () -> ()
    %mul3A_3 = arith.constant 32 : i32
    %mul3A_4 = arith.muli %add3A, %mul3A_3 : i32
    "tpu.region"() ({
      %run_scoped3A = tpu.sem_alloc : memref<!tpu.dma_semaphore, #tpu.memory_space<semaphore_mem>>
      %dma_start3A = tpu.memref_slice %arg3[%mul3A_4] : memref<1024xf32, #tpu.memory_space<hbm>> -> memref<32xf32, #tpu.memory_space<hbm>>
      %dma_start3A_145 = tpu.memref_slice %arg3[%mul3A_4] : memref<1024xf32, #tpu.memory_space<hbm>> -> memref<32xf32, #tpu.memory_space<hbm>>
      tpu.enqueue_dma source(%dma_start3A_145 : memref<32xf32, #tpu.memory_space<hbm>>) target(%arg6 : memref<32xf32, #tpu.memory_space<vmem>>) target_semaphore(%run_scoped3A : memref<!tpu.dma_semaphore, #tpu.memory_space<semaphore_mem>>)
      %dma_wait3A = tpu.memref_slice %arg3[%mul3A_4] : memref<1024xf32, #tpu.memory_space<hbm>> -> memref<32xf32, #tpu.memory_space<hbm>>
      %dma_wait3A_146 = tpu.memref_slice %arg3[%mul3A_4] : memref<1024xf32, #tpu.memory_space<hbm>> -> memref<32xf32, #tpu.memory_space<hbm>>
      tpu.wait_dma2 semaphore(%run_scoped3A : memref<!tpu.dma_semaphore, #tpu.memory_space<semaphore_mem>>) src(%dma_wait3A_146 : memref<32xf32, #tpu.memory_space<hbm>>) dst(%arg6 : memref<32xf32, #tpu.memory_space<vmem>>)
      tpu.yield
    }) : () -> ()
    %iota3A = tpu.iota {dimensions = array<i32: 0>} : vector<16xi32>
    %get3A = arith.constant 0 : index
    %get3A_5 = tpu.vector_load %arg5[%get3A] {strides = array<i32>} : memref<32xi32, #tpu.memory_space<vmem>>, vector<16xi32>,
    %get3A_6 = vector.shape_cast %get3A_5 : vector<16xi32> to vector<16xi32>
    %add3A_7 = arith.constant 0 : i32
    %add3A_8 = vector.broadcast %add3A_7 : i32 to vector<16xi32>
    %add3A_9 = arith.addi %iota3A, %add3A_8 : vector<16xi32>
    %shift_right_logical3A = arith.constant 3 : i32
    %shift_right_logical3A_10 = vector.broadcast %shift_right_logical3A : i32 to vector<16xi32>
    %shift_right_logical3A_11 = arith.shrui %add3A_9, %shift_right_logical3A_10 : vector<16xi32>
    %mul3A_12 = arith.constant 4 : i32
    %mul3A_13 = arith.muli %arg1, %mul3A_12 : i32
    %add3A_14 = vector.broadcast %mul3A_13 : i32 to vector<16xi32>
    %add3A_15 = arith.addi %add3A_14, %shift_right_logical3A_11 : vector<16xi32>
    %mul3A_16 = arith.constant 64 : i32
    %mul3A_17 = vector.broadcast %mul3A_16 : i32 to vector<16xi32>
    %mul3A_18 = arith.muli %add3A_15, %mul3A_17 : vector<16xi32>
    %add3A_19 = arith.addi %mul3A_18, %get3A_6 : vector<16xi32>
    %swap3A = arith.constant 0 : index
    %swap3A_20 = tpu.vector_load %arg7[%swap3A] {strides = array<i32>} : memref<32xi32, #tpu.memory_space<vmem>>, vector<16xi32>,
    %swap3A_21 = vector.shape_cast %swap3A_20 : vector<16xi32> to vector<16xi32>
    %swap3A_22 = vector.shape_cast %add3A_19 : vector<16xi32> to vector<16xi32>
    tpu.vector_store %arg7[%swap3A], %swap3A_22 {strides = array<i32>} : memref<32xi32, #tpu.memory_space<vmem>>, vector<16xi32>,
    %get3A_23 = arith.constant 16 : index
    %get3A_24 = tpu.vector_load %arg5[%get3A_23] {strides = array<i32>} : memref<32xi32, #tpu.memory_space<vmem>>, vector<16xi32>,
    %get3A_25 = vector.shape_cast %get3A_24 : vector<16xi32> to vector<16xi32>
    %add3A_26 = arith.constant 16 : i32
    %add3A_27 = vector.broadcast %add3A_26 : i32 to vector<16xi32>
    %add3A_28 = arith.addi %iota3A, %add3A_27 : vector<16xi32>
    %shift_right_logical3A_29 = arith.constant 3 : i32
    %shift_right_logical3A_30 = vector.broadcast %shift_right_logical3A_29 : i32 to vector<16xi32>
    %shift_right_logical3A_31 = arith.shrui %add3A_28, %shift_right_logical3A_30 : vector<16xi32>
    %mul3A_32 = arith.constant 4 : i32
    %mul3A_33 = arith.muli %arg1, %mul3A_32 : i32
    %add3A_34 = vector.broadcast %mul3A_33 : i32 to vector<16xi32>
    %add3A_35 = arith.addi %add3A_34, %shift_right_logical3A_31 : vector<16xi32>
    %mul3A_36 = arith.constant 64 : i32
    %mul3A_37 = vector.broadcast %mul3A_36 : i32 to vector<16xi32>
    %mul3A_38 = arith.muli %add3A_35, %mul3A_37 : vector<16xi32>
    %add3A_39 = arith.addi %mul3A_38, %get3A_25 : vector<16xi32>
    %swap3A_40 = arith.constant 16 : index
    %swap3A_41 = tpu.vector_load %arg7[%swap3A_40] {strides = array<i32>} : memref<32xi32, #tpu.memory_space<vmem>>, vector<16xi32>,
    %swap3A_42 = vector.shape_cast %swap3A_41 : vector<16xi32> to vector<16xi32>
    %swap3A_43 = vector.shape_cast %add3A_39 : vector<16xi32> to vector<16xi32>
    tpu.vector_store %arg7[%swap3A_40], %swap3A_43 {strides = array<i32>} : memref<32xi32, #tpu.memory_space<vmem>>, vector<16xi32>,
    %broadcast_in_dim3A = arith.constant 0.000000e+00 : f32
    %broadcast_in_dim3A_44 = vector.broadcast %broadcast_in_dim3A : f32 to vector<16xf32>
    %swap3A_45 = arith.constant 0 : index
    %swap3A_46 = tpu.vector_load %arg8[%swap3A_45] {strides = array<i32>} : memref<256xf32, #tpu.memory_space<vmem>>, vector<16xf32>,
    %swap3A_47 = vector.shape_cast %swap3A_46 : vector<16xf32> to vector<16xf32>
    %swap3A_48 = vector.shape_cast %broadcast_in_dim3A_44 : vector<16xf32> to vector<16xf32>
    tpu.vector_store %arg8[%swap3A_45], %swap3A_48 {strides = array<i32>} : memref<256xf32, #tpu.memory_space<vmem>>, vector<16xf32>,
    %broadcast_in_dim3A_49 = arith.constant 0.000000e+00 : f32
    %broadcast_in_dim3A_50 = vector.broadcast %broadcast_in_dim3A_49 : f32 to vector<16xf32>
    %swap3A_51 = arith.constant 16 : index
    %swap3A_52 = tpu.vector_load %arg8[%swap3A_51] {strides = array<i32>} : memref<256xf32, #tpu.memory_space<vmem>>, vector<16xf32>,
    %swap3A_53 = vector.shape_cast %swap3A_52 : vector<16xf32> to vector<16xf32>
    %swap3A_54 = vector.shape_cast %broadcast_in_dim3A_50 : vector<16xf32> to vector<16xf32>
    tpu.vector_store %arg8[%swap3A_51], %swap3A_54 {strides = array<i32>} : memref<256xf32, #tpu.memory_space<vmem>>, vector<16xf32>,
    %broadcast_in_dim3A_55 = arith.constant 0.000000e+00 : f32
    %broadcast_in_dim3A_56 = vector.broadcast %broadcast_in_dim3A_55 : f32 to vector<16xf32>
    %swap3A_57 = arith.constant 32 : index
    %swap3A_58 = tpu.vector_load %arg8[%swap3A_57] {strides = array<i32>} : memref<256xf32, #tpu.memory_space<vmem>>, vector<16xf32>,
    %swap3A_59 = vector.shape_cast %swap3A_58 : vector<16xf32> to vector<16xf32>
    %swap3A_60 = vector.shape_cast %broadcast_in_dim3A_56 : vector<16xf32> to vector<16xf32>
    tpu.vector_store %arg8[%swap3A_57], %swap3A_60 {strides = array<i32>} : memref<256xf32, #tpu.memory_space<vmem>>, vector<16xf32>,
    %broadcast_in_dim3A_61 = arith.constant 0.000000e+00 : f32
    %broadcast_in_dim3A_62 = vector.broadcast %broadcast_in_dim3A_61 : f32 to vector<16xf32>
    %swap3A_63 = arith.constant 48 : index
    %swap3A_64 = tpu.vector_load %arg8[%swap3A_63] {strides = array<i32>} : memref<256xf32, #tpu.memory_space<vmem>>, vector<16xf32>,
    %swap3A_65 = vector.shape_cast %swap3A_64 : vector<16xf32> to vector<16xf32>
    %swap3A_66 = vector.shape_cast %broadcast_in_dim3A_62 : vector<16xf32> to vector<16xf32>
    tpu.vector_store %arg8[%swap3A_63], %swap3A_66 {strides = array<i32>} : memref<256xf32, #tpu.memory_space<vmem>>, vector<16xf32>,
    %broadcast_in_dim3A_67 = arith.constant 0.000000e+00 : f32
    %broadcast_in_dim3A_68 = vector.broadcast %broadcast_in_dim3A_67 : f32 to vector<16xf32>
    %swap3A_69 = arith.constant 64 : index
    %swap3A_70 = tpu.vector_load %arg8[%swap3A_69] {strides = array<i32>} : memref<256xf32, #tpu.memory_space<vmem>>, vector<16xf32>,
    %swap3A_71 = vector.shape_cast %swap3A_70 : vector<16xf32> to vector<16xf32>
    %swap3A_72 = vector.shape_cast %broadcast_in_dim3A_68 : vector<16xf32> to vector<16xf32>
    tpu.vector_store %arg8[%swap3A_69], %swap3A_72 {strides = array<i32>} : memref<256xf32, #tpu.memory_space<vmem>>, vector<16xf32>,
    %broadcast_in_dim3A_73 = arith.constant 0.000000e+00 : f32
    %broadcast_in_dim3A_74 = vector.broadcast %broadcast_in_dim3A_73 : f32 to vector<16xf32>
    %swap3A_75 = arith.constant 80 : index
    %swap3A_76 = tpu.vector_load %arg8[%swap3A_75] {strides = array<i32>} : memref<256xf32, #tpu.memory_space<vmem>>, vector<16xf32>,
    %swap3A_77 = vector.shape_cast %swap3A_76 : vector<16xf32> to vector<16xf32>
    %swap3A_78 = vector.shape_cast %broadcast_in_dim3A_74 : vector<16xf32> to vector<16xf32>
    tpu.vector_store %arg8[%swap3A_75], %swap3A_78 {strides = array<i32>} : memref<256xf32, #tpu.memory_space<vmem>>, vector<16xf32>,
    %broadcast_in_dim3A_79 = arith.constant 0.000000e+00 : f32
    %broadcast_in_dim3A_80 = vector.broadcast %broadcast_in_dim3A_79 : f32 to vector<16xf32>
    %swap3A_81 = arith.constant 96 : index
    %swap3A_82 = tpu.vector_load %arg8[%swap3A_81] {strides = array<i32>} : memref<256xf32, #tpu.memory_space<vmem>>, vector<16xf32>,
    %swap3A_83 = vector.shape_cast %swap3A_82 : vector<16xf32> to vector<16xf32>
    %swap3A_84 = vector.shape_cast %broadcast_in_dim3A_80 : vector<16xf32> to vector<16xf32>
    tpu.vector_store %arg8[%swap3A_81], %swap3A_84 {strides = array<i32>} : memref<256xf32, #tpu.memory_space<vmem>>, vector<16xf32>,
    %broadcast_in_dim3A_85 = arith.constant 0.000000e+00 : f32
    %broadcast_in_dim3A_86 = vector.broadcast %broadcast_in_dim3A_85 : f32 to vector<16xf32>
    %swap3A_87 = arith.constant 112 : index
    %swap3A_88 = tpu.vector_load %arg8[%swap3A_87] {strides = array<i32>} : memref<256xf32, #tpu.memory_space<vmem>>, vector<16xf32>,
    %swap3A_89 = vector.shape_cast %swap3A_88 : vector<16xf32> to vector<16xf32>
    %swap3A_90 = vector.shape_cast %broadcast_in_dim3A_86 : vector<16xf32> to vector<16xf32>
    tpu.vector_store %arg8[%swap3A_87], %swap3A_90 {strides = array<i32>} : memref<256xf32, #tpu.memory_space<vmem>>, vector<16xf32>,
    %broadcast_in_dim3A_91 = arith.constant 0.000000e+00 : f32
    %broadcast_in_dim3A_92 = vector.broadcast %broadcast_in_dim3A_91 : f32 to vector<16xf32>
    %swap3A_93 = arith.constant 128 : index
    %swap3A_94 = tpu.vector_load %arg8[%swap3A_93] {strides = array<i32>} : memref<256xf32, #tpu.memory_space<vmem>>, vector<16xf32>,
    %swap3A_95 = vector.shape_cast %swap3A_94 : vector<16xf32> to vector<16xf32>
    %swap3A_96 = vector.shape_cast %broadcast_in_dim3A_92 : vector<16xf32> to vector<16xf32>
    tpu.vector_store %arg8[%swap3A_93], %swap3A_96 {strides = array<i32>} : memref<256xf32, #tpu.memory_space<vmem>>, vector<16xf32>,
    %broadcast_in_dim3A_97 = arith.constant 0.000000e+00 : f32
    %broadcast_in_dim3A_98 = vector.broadcast %broadcast_in_dim3A_97 : f32 to vector<16xf32>
    %swap3A_99 = arith.constant 144 : index
    %swap3A_100 = tpu.vector_load %arg8[%swap3A_99] {strides = array<i32>} : memref<256xf32, #tpu.memory_space<vmem>>, vector<16xf32>,
    %swap3A_101 = vector.shape_cast %swap3A_100 : vector<16xf32> to vector<16xf32>
    %swap3A_102 = vector.shape_cast %broadcast_in_dim3A_98 : vector<16xf32> to vector<16xf32>
    tpu.vector_store %arg8[%swap3A_99], %swap3A_102 {strides = array<i32>} : memref<256xf32, #tpu.memory_space<vmem>>, vector<16xf32>,
    %broadcast_in_dim3A_103 = arith.constant 0.000000e+00 : f32
    %broadcast_in_dim3A_104 = vector.broadcast %broadcast_in_dim3A_103 : f32 to vector<16xf32>
    %swap3A_105 = arith.constant 160 : index
    %swap3A_106 = tpu.vector_load %arg8[%swap3A_105] {strides = array<i32>} : memref<256xf32, #tpu.memory_space<vmem>>, vector<16xf32>,
    %swap3A_107 = vector.shape_cast %swap3A_106 : vector<16xf32> to vector<16xf32>
    %swap3A_108 = vector.shape_cast %broadcast_in_dim3A_104 : vector<16xf32> to vector<16xf32>
    tpu.vector_store %arg8[%swap3A_105], %swap3A_108 {strides = array<i32>} : memref<256xf32, #tpu.memory_space<vmem>>, vector<16xf32>,
    %broadcast_in_dim3A_109 = arith.constant 0.000000e+00 : f32
    %broadcast_in_dim3A_110 = vector.broadcast %broadcast_in_dim3A_109 : f32 to vector<16xf32>
    %swap3A_111 = arith.constant 176 : index
    %swap3A_112 = tpu.vector_load %arg8[%swap3A_111] {strides = array<i32>} : memref<256xf32, #tpu.memory_space<vmem>>, vector<16xf32>,
    %swap3A_113 = vector.shape_cast %swap3A_112 : vector<16xf32> to vector<16xf32>
    %swap3A_114 = vector.shape_cast %broadcast_in_dim3A_110 : vector<16xf32> to vector<16xf32>
    tpu.vector_store %arg8[%swap3A_111], %swap3A_114 {strides = array<i32>} : memref<256xf32, #tpu.memory_space<vmem>>, vector<16xf32>,
    %broadcast_in_dim3A_115 = arith.constant 0.000000e+00 : f32
    %broadcast_in_dim3A_116 = vector.broadcast %broadcast_in_dim3A_115 : f32 to vector<16xf32>
    %swap3A_117 = arith.constant 192 : index
    %swap3A_118 = tpu.vector_load %arg8[%swap3A_117] {strides = array<i32>} : memref<256xf32, #tpu.memory_space<vmem>>, vector<16xf32>,
    %swap3A_119 = vector.shape_cast %swap3A_118 : vector<16xf32> to vector<16xf32>
    %swap3A_120 = vector.shape_cast %broadcast_in_dim3A_116 : vector<16xf32> to vector<16xf32>
    tpu.vector_store %arg8[%swap3A_117], %swap3A_120 {strides = array<i32>} : memref<256xf32, #tpu.memory_space<vmem>>, vector<16xf32>,
    %broadcast_in_dim3A_121 = arith.constant 0.000000e+00 : f32
    %broadcast_in_dim3A_122 = vector.broadcast %broadcast_in_dim3A_121 : f32 to vector<16xf32>
    %swap3A_123 = arith.constant 208 : index
    %swap3A_124 = tpu.vector_load %arg8[%swap3A_123] {strides = array<i32>} : memref<256xf32, #tpu.memory_space<vmem>>, vector<16xf32>,
    %swap3A_125 = vector.shape_cast %swap3A_124 : vector<16xf32> to vector<16xf32>
    %swap3A_126 = vector.shape_cast %broadcast_in_dim3A_122 : vector<16xf32> to vector<16xf32>
    tpu.vector_store %arg8[%swap3A_123], %swap3A_126 {strides = array<i32>} : memref<256xf32, #tpu.memory_space<vmem>>, vector<16xf32>,
    %broadcast_in_dim3A_127 = arith.constant 0.000000e+00 : f32
    %broadcast_in_dim3A_128 = vector.broadcast %broadcast_in_dim3A_127 : f32 to vector<16xf32>
    %swap3A_129 = arith.constant 224 : index
    %swap3A_130 = tpu.vector_load %arg8[%swap3A_129] {strides = array<i32>} : memref<256xf32, #tpu.memory_space<vmem>>, vector<16xf32>,
    %swap3A_131 = vector.shape_cast %swap3A_130 : vector<16xf32> to vector<16xf32>
    %swap3A_132 = vector.shape_cast %broadcast_in_dim3A_128 : vector<16xf32> to vector<16xf32>
    tpu.vector_store %arg8[%swap3A_129], %swap3A_132 {strides = array<i32>} : memref<256xf32, #tpu.memory_space<vmem>>, vector<16xf32>,
    %broadcast_in_dim3A_133 = arith.constant 0.000000e+00 : f32
    %broadcast_in_dim3A_134 = vector.broadcast %broadcast_in_dim3A_133 : f32 to vector<16xf32>
    %swap3A_135 = arith.constant 240 : index
    %swap3A_136 = tpu.vector_load %arg8[%swap3A_135] {strides = array<i32>} : memref<256xf32, #tpu.memory_space<vmem>>, vector<16xf32>,
    %swap3A_137 = vector.shape_cast %swap3A_136 : vector<16xf32> to vector<16xf32>
    %swap3A_138 = vector.shape_cast %broadcast_in_dim3A_134 : vector<16xf32> to vector<16xf32>
    tpu.vector_store %arg8[%swap3A_135], %swap3A_138 {strides = array<i32>} : memref<256xf32, #tpu.memory_space<vmem>>, vector<16xf32>,
    %mul3A_139 = arith.constant 256 : i32
    %mul3A_140 = arith.muli %arg1, %mul3A_139 : i32
    "tpu.region"() ({
      %run_scoped3A = tpu.sem_alloc : memref<!tpu.dma_semaphore, #tpu.memory_space<semaphore_mem>>
      %dma_start3A = tpu.memref_slice %arg9[%mul3A_140] : memref<4096xf32, #tpu.memory_space<vmem_shared>> -> memref<256xf32, #tpu.memory_space<vmem_shared>>
      %dma_start3A_145 = tpu.memref_slice %arg9[%mul3A_140] : memref<4096xf32, #tpu.memory_space<vmem_shared>> -> memref<256xf32, #tpu.memory_space<vmem_shared>>
      tpu.enqueue_dma source(%arg8 : memref<256xf32, #tpu.memory_space<vmem>>) target(%dma_start3A_145 : memref<256xf32, #tpu.memory_space<vmem_shared>>) target_semaphore(%run_scoped3A : memref<!tpu.dma_semaphore, #tpu.memory_space<semaphore_mem>>)
      %dma_wait3A = tpu.memref_slice %arg9[%mul3A_140] : memref<4096xf32, #tpu.memory_space<vmem_shared>> -> memref<256xf32, #tpu.memory_space<vmem_shared>>
      %dma_wait3A_146 = tpu.memref_slice %arg9[%mul3A_140] : memref<4096xf32, #tpu.memory_space<vmem_shared>> -> memref<256xf32, #tpu.memory_space<vmem_shared>>
      tpu.wait_dma2 semaphore(%run_scoped3A : memref<!tpu.dma_semaphore, #tpu.memory_space<semaphore_mem>>) src(%arg8 : memref<256xf32, #tpu.memory_space<vmem>>) dst(%dma_wait3A_146 : memref<256xf32, #tpu.memory_space<vmem_shared>>)
      tpu.yield
    }) : () -> ()
    "tpu.region"() ({
      %run_scoped3A = tpu.sem_alloc : memref<!tpu.dma_semaphore, #tpu.memory_space<semaphore_mem>>
      %dma_start3A = arith.constant 0 : i32
      %dma_start3A_145 = tpu.memref_slice %arg9[%dma_start3A] : memref<4096xf32, #tpu.memory_space<vmem_shared>> -> memref<4096xf32, #tpu.memory_space<vmem_shared>>
      tpu.enqueue_indirect_dma source(%arg6 : memref<32xf32, #tpu.memory_space<vmem>>) target(%dma_start3A_145 : memref<4096xf32, #tpu.memory_space<vmem_shared>>) offsets(%arg7 : memref<32xi32, #tpu.memory_space<vmem>>) semaphore(%run_scoped3A : memref<!tpu.dma_semaphore, #tpu.memory_space<semaphore_mem>>) {add = true}
      %dma_wait3A = arith.constant 0 : i32
      %dma_wait3A_146 = tpu.memref_slice %arg9[%dma_wait3A] : memref<4096xf32, #tpu.memory_space<vmem_shared>> -> memref<4096xf32, #tpu.memory_space<vmem_shared>>
      tpu.wait_indirect_dma semaphore(%run_scoped3A : memref<!tpu.dma_semaphore, #tpu.memory_space<semaphore_mem>>) src(%arg6 : memref<32xf32, #tpu.memory_space<vmem>>) dst(%dma_wait3A_146 : memref<4096xf32, #tpu.memory_space<vmem_shared>>)
      tpu.yield
    }) : () -> ()
    %mul3A_141 = arith.constant 256 : i32
    %mul3A_142 = arith.muli %arg1, %mul3A_141 : i32
    %mul3A_143 = arith.constant 256 : i32
    %mul3A_144 = arith.muli %add3A, %mul3A_143 : i32
    "tpu.region"() ({
      %run_scoped3A = tpu.sem_alloc : memref<!tpu.dma_semaphore, #tpu.memory_space<semaphore_mem>>
      %dma_start3A = tpu.memref_slice %arg4[%mul3A_144] : memref<8192xf32, #tpu.memory_space<hbm>> -> memref<256xf32, #tpu.memory_space<hbm>>
      %dma_start3A_145 = tpu.memref_slice %arg9[%mul3A_142] : memref<4096xf32, #tpu.memory_space<vmem_shared>> -> memref<256xf32, #tpu.memory_space<vmem_shared>>
      tpu.enqueue_dma source(%dma_start3A_145 : memref<256xf32, #tpu.memory_space<vmem_shared>>) target(%dma_start3A : memref<256xf32, #tpu.memory_space<hbm>>) target_semaphore(%run_scoped3A : memref<!tpu.dma_semaphore, #tpu.memory_space<semaphore_mem>>)
      %dma_wait3A = tpu.memref_slice %arg4[%mul3A_144] : memref<8192xf32, #tpu.memory_space<hbm>> -> memref<256xf32, #tpu.memory_space<hbm>>
      %dma_wait3A_146 = tpu.memref_slice %arg9[%mul3A_142] : memref<4096xf32, #tpu.memory_space<vmem_shared>> -> memref<256xf32, #tpu.memory_space<vmem_shared>>
      tpu.wait_dma2 semaphore(%run_scoped3A : memref<!tpu.dma_semaphore, #tpu.memory_space<semaphore_mem>>) src(%dma_wait3A_146 : memref<256xf32, #tpu.memory_space<vmem_shared>>) dst(%dma_wait3A : memref<256xf32, #tpu.memory_space<hbm>>)
      tpu.yield
    }) : () -> ()
    return
  }
}

module attributes {stable_mosaic.version = 14 : i64} {
  func.func @_moe_body(%arg0: i32, %arg1: memref<128x1024xf32, #tpu.memory_space<vmem>>, %arg2: memref<2x1x512x1024xf32, #tpu.memory_space<vmem>>, %arg3: memref<2x1x512x1024xf32, #tpu.memory_space<vmem>>, %arg4: memref<2x1x512x512xf32, #tpu.memory_space<vmem>>, %arg5: memref<2x1x512x512xf32, #tpu.memory_space<vmem>>, %arg6: memref<2x128x1xf32, #tpu.memory_space<vmem>>, %arg7: memref<128x1024xf32, #tpu.memory_space<vmem>>) attributes {dimension_semantics = [#tpu.dimension_semantics<arbitrary>], iteration_bounds = array<i64: 32>, scalar_prefetch = 0 : i64, scratch_operands = 0 : i64, tpu.core_type = #tpu.core_type<tc>, window_params = [{pipeline_mode = #tpu.pipeline_mode<synchronous>, transform_indices = @transform_0, window_bounds = array<i64: 128, 1024>}, {transform_indices = @transform_1, window_bounds = array<i64: 2, 1, 512, 1024>}, {transform_indices = @transform_2, window_bounds = array<i64: 2, 1, 512, 1024>}, {transform_indices = @transform_3, window_bounds = array<i64: 2, 1, 512, 512>}, {transform_indices = @transform_4, window_bounds = array<i64: 2, 1, 512, 512>}, {transform_indices = @transform_5, window_bounds = array<i64: 2, 128, 1>}, {pipeline_mode = #tpu.pipeline_mode<synchronous>, transform_indices = @transform_6, window_bounds = array<i64: 128, 1024>}]} {
    %get3A = arith.constant 0 : index
    %get3A_0 = arith.constant 0 : index
    %get3A_1 = vector.load %arg1[%get3A, %get3A_0] : memref<128x1024xf32, #tpu.memory_space<vmem>>, vector<128x1024xf32>
    %get3A_2 = arith.constant 0 : index
    %get3A_3 = arith.constant 0 : index
    %get3A_4 = arith.constant 0 : index
    %get3A_5 = arith.constant 0 : index
    %get3A_6 = vector.load %arg2[%get3A_2, %get3A_3, %get3A_4, %get3A_5] : memref<2x1x512x1024xf32, #tpu.memory_space<vmem>>, vector<1x1x512x1024xf32>
    %get3A_7 = vector.shape_cast %get3A_6 : vector<1x1x512x1024xf32> to vector<512x1024xf32>
    %dot_general3A = arith.constant dense<0.000000e+00> : vector<128x512xf32>
    %dot_general3A_8 = tpu.matmul %get3A_1, %get3A_7, %dot_general3A {dimension_numbers = #tpu.dot_dimension_numbers<[1], [1], [0], [0], [0, 0, 1, 0], [], []>, transpose_lhs_hint = false} : vector<128x1024xf32>, vector<512x1024xf32>, vector<128x512xf32> -> vector<128x512xf32>
    %get3A_9 = arith.constant 0 : index
    %get3A_10 = arith.constant 0 : index
    %get3A_11 = arith.constant 0 : index
    %get3A_12 = arith.constant 0 : index
    %get3A_13 = vector.load %arg3[%get3A_9, %get3A_10, %get3A_11, %get3A_12] : memref<2x1x512x1024xf32, #tpu.memory_space<vmem>>, vector<1x1x512x1024xf32>
    %get3A_14 = vector.shape_cast %get3A_13 : vector<1x1x512x1024xf32> to vector<512x1024xf32>
    %dot_general3A_15 = arith.constant dense<0.000000e+00> : vector<128x512xf32>
    %dot_general3A_16 = tpu.matmul %get3A_1, %get3A_14, %dot_general3A_15 {dimension_numbers = #tpu.dot_dimension_numbers<[1], [1], [0], [0], [0, 0, 1, 0], [], []>, transpose_lhs_hint = false} : vector<128x1024xf32>, vector<512x1024xf32>, vector<128x512xf32> -> vector<128x512xf32>
    %logistic3A = arith.negf %dot_general3A_8 : vector<128x512xf32>
    %logistic3A_17 = math.exp %logistic3A : vector<128x512xf32>
    %logistic3A_18 = arith.constant 1.000000e+00 : f32
    %logistic3A_19 = vector.broadcast %logistic3A_18 : f32 to vector<128x512xf32>
    %logistic3A_20 = arith.addf %logistic3A_19, %logistic3A_17 : vector<128x512xf32>
    %logistic3A_21 = arith.divf %logistic3A_19, %logistic3A_20 : vector<128x512xf32>
    %mul3A = arith.mulf %dot_general3A_8, %logistic3A_21 : vector<128x512xf32>
    %mul3A_22 = arith.mulf %mul3A, %dot_general3A_16 : vector<128x512xf32>
    %get3A_23 = arith.constant 0 : index
    %get3A_24 = arith.constant 0 : index
    %get3A_25 = arith.constant 0 : index
    %get3A_26 = arith.constant 0 : index
    %get3A_27 = vector.load %arg4[%get3A_23, %get3A_24, %get3A_25, %get3A_26] : memref<2x1x512x512xf32, #tpu.memory_space<vmem>>, vector<1x1x512x512xf32>
    %get3A_28 = vector.shape_cast %get3A_27 : vector<1x1x512x512xf32> to vector<512x512xf32>
    %dot_general3A_29 = arith.constant dense<0.000000e+00> : vector<128x512xf32>
    %dot_general3A_30 = tpu.matmul %mul3A_22, %get3A_28, %dot_general3A_29 {dimension_numbers = #tpu.dot_dimension_numbers<[1], [1], [0], [0], [0, 0, 1, 0], [], []>, transpose_lhs_hint = false} : vector<128x512xf32>, vector<512x512xf32>, vector<128x512xf32> -> vector<128x512xf32>
    %get3A_31 = arith.constant 0 : index
    %get3A_32 = arith.constant 0 : index
    %get3A_33 = arith.constant 0 : index
    %get3A_34 = arith.constant 0 : index
    %get3A_35 = vector.load %arg5[%get3A_31, %get3A_32, %get3A_33, %get3A_34] : memref<2x1x512x512xf32, #tpu.memory_space<vmem>>, vector<1x1x512x512xf32>
    %get3A_36 = vector.shape_cast %get3A_35 : vector<1x1x512x512xf32> to vector<512x512xf32>
    %dot_general3A_37 = arith.constant dense<0.000000e+00> : vector<128x512xf32>
    %dot_general3A_38 = tpu.matmul %mul3A_22, %get3A_36, %dot_general3A_37 {dimension_numbers = #tpu.dot_dimension_numbers<[1], [1], [0], [0], [0, 0, 1, 0], [], []>, transpose_lhs_hint = false} : vector<128x512xf32>, vector<512x512xf32>, vector<128x512xf32> -> vector<128x512xf32>
    %get3A_39 = arith.constant 0 : index
    %get3A_40 = arith.constant 0 : index
    %get3A_41 = arith.constant 0 : index
    %get3A_42 = vector.load %arg6[%get3A_39, %get3A_40, %get3A_41] : memref<2x128x1xf32, #tpu.memory_space<vmem>>, vector<1x128x1xf32>
    %get3A_43 = vector.shape_cast %get3A_42 : vector<1x128x1xf32> to vector<128x1xf32>
    %eq3A = arith.constant 0 : i32
    %eq3A_44 = arith.cmpi eq, %arg0, %eq3A : i32
    %convert_element_type3A = arith.extui %eq3A_44 : i1 to i32
    %cond3A = arith.constant 0 : i32
    %cond3A_45 = arith.cmpi ne, %convert_element_type3A, %cond3A : i32
    scf.if %cond3A_45 {
      %mul3A_111 = vector.broadcast %get3A_43 : vector<128x1xf32> to vector<128x512xf32>
      %mul3A_112 = arith.mulf %mul3A_111, %dot_general3A_30 : vector<128x512xf32>
      %swap3A_113 = arith.constant 0 : index
      %swap3A_114 = arith.constant 0 : index
      %swap3A_115 = vector.load %arg7[%swap3A_113, %swap3A_114] : memref<128x1024xf32, #tpu.memory_space<vmem>>, vector<128x512xf32>
      tpu.vector_store %arg7[%swap3A_113, %swap3A_114], %mul3A_112 {strides = array<i32>} : memref<128x1024xf32, #tpu.memory_space<vmem>>, vector<128x512xf32>,
      %mul3A_116 = vector.broadcast %get3A_43 : vector<128x1xf32> to vector<128x512xf32>
      %mul3A_117 = arith.mulf %mul3A_116, %dot_general3A_38 : vector<128x512xf32>
      %swap3A_118 = arith.constant 0 : index
      %swap3A_119 = arith.constant 512 : index
      %swap3A_120 = vector.load %arg7[%swap3A_118, %swap3A_119] : memref<128x1024xf32, #tpu.memory_space<vmem>>, vector<128x512xf32>
      tpu.vector_store %arg7[%swap3A_118, %swap3A_119], %mul3A_117 {strides = array<i32>} : memref<128x1024xf32, #tpu.memory_space<vmem>>, vector<128x512xf32>,
    } else {
    }
    %gt3A = arith.constant 0 : i32
    %gt3A_46 = arith.cmpi sgt, %arg0, %gt3A : i32
    %convert_element_type3A_47 = arith.extui %gt3A_46 : i1 to i32
    %cond3A_48 = arith.constant 0 : i32
    %cond3A_49 = arith.cmpi ne, %convert_element_type3A_47, %cond3A_48 : i32
    scf.if %cond3A_49 {
      %get3A_111 = arith.constant 0 : index
      %get3A_112 = arith.constant 0 : index
      %get3A_113 = vector.load %arg7[%get3A_111, %get3A_112] : memref<128x1024xf32, #tpu.memory_space<vmem>>, vector<128x512xf32>
      %mul3A_114 = vector.broadcast %get3A_43 : vector<128x1xf32> to vector<128x512xf32>
      %mul3A_115 = arith.mulf %mul3A_114, %dot_general3A_30 : vector<128x512xf32>
      %add3A_116 = arith.addf %get3A_113, %mul3A_115 : vector<128x512xf32>
      %swap3A_117 = arith.constant 0 : index
      %swap3A_118 = arith.constant 0 : index
      %swap3A_119 = vector.load %arg7[%swap3A_117, %swap3A_118] : memref<128x1024xf32, #tpu.memory_space<vmem>>, vector<128x512xf32>
      tpu.vector_store %arg7[%swap3A_117, %swap3A_118], %add3A_116 {strides = array<i32>} : memref<128x1024xf32, #tpu.memory_space<vmem>>, vector<128x512xf32>,
      %get3A_120 = arith.constant 0 : index
      %get3A_121 = arith.constant 512 : index
      %get3A_122 = vector.load %arg7[%get3A_120, %get3A_121] : memref<128x1024xf32, #tpu.memory_space<vmem>>, vector<128x512xf32>
      %mul3A_123 = vector.broadcast %get3A_43 : vector<128x1xf32> to vector<128x512xf32>
      %mul3A_124 = arith.mulf %mul3A_123, %dot_general3A_38 : vector<128x512xf32>
      %add3A_125 = arith.addf %get3A_122, %mul3A_124 : vector<128x512xf32>
      %swap3A_126 = arith.constant 0 : index
      %swap3A_127 = arith.constant 512 : index
      %swap3A_128 = vector.load %arg7[%swap3A_126, %swap3A_127] : memref<128x1024xf32, #tpu.memory_space<vmem>>, vector<128x512xf32>
      tpu.vector_store %arg7[%swap3A_126, %swap3A_127], %add3A_125 {strides = array<i32>} : memref<128x1024xf32, #tpu.memory_space<vmem>>, vector<128x512xf32>,
    } else {
    }
    %get3A_50 = arith.constant 1 : index
    %get3A_51 = arith.constant 0 : index
    %get3A_52 = arith.constant 0 : index
    %get3A_53 = arith.constant 0 : index
    %get3A_54 = vector.load %arg2[%get3A_50, %get3A_51, %get3A_52, %get3A_53] : memref<2x1x512x1024xf32, #tpu.memory_space<vmem>>, vector<1x1x512x1024xf32>
    %get3A_55 = vector.shape_cast %get3A_54 : vector<1x1x512x1024xf32> to vector<512x1024xf32>
    %dot_general3A_56 = arith.constant dense<0.000000e+00> : vector<128x512xf32>
    %dot_general3A_57 = tpu.matmul %get3A_1, %get3A_55, %dot_general3A_56 {dimension_numbers = #tpu.dot_dimension_numbers<[1], [1], [0], [0], [0, 0, 1, 0], [], []>, transpose_lhs_hint = false} : vector<128x1024xf32>, vector<512x1024xf32>, vector<128x512xf32> -> vector<128x512xf32>
    %get3A_58 = arith.constant 1 : index
    %get3A_59 = arith.constant 0 : index
    %get3A_60 = arith.constant 0 : index
    %get3A_61 = arith.constant 0 : index
    %get3A_62 = vector.load %arg3[%get3A_58, %get3A_59, %get3A_60, %get3A_61] : memref<2x1x512x1024xf32, #tpu.memory_space<vmem>>, vector<1x1x512x1024xf32>
    %get3A_63 = vector.shape_cast %get3A_62 : vector<1x1x512x1024xf32> to vector<512x1024xf32>
    %dot_general3A_64 = arith.constant dense<0.000000e+00> : vector<128x512xf32>
    %dot_general3A_65 = tpu.matmul %get3A_1, %get3A_63, %dot_general3A_64 {dimension_numbers = #tpu.dot_dimension_numbers<[1], [1], [0], [0], [0, 0, 1, 0], [], []>, transpose_lhs_hint = false} : vector<128x1024xf32>, vector<512x1024xf32>, vector<128x512xf32> -> vector<128x512xf32>
    %logistic3A_66 = arith.negf %dot_general3A_57 : vector<128x512xf32>
    %logistic3A_67 = math.exp %logistic3A_66 : vector<128x512xf32>
    %logistic3A_68 = arith.constant 1.000000e+00 : f32
    %logistic3A_69 = vector.broadcast %logistic3A_68 : f32 to vector<128x512xf32>
    %logistic3A_70 = arith.addf %logistic3A_69, %logistic3A_67 : vector<128x512xf32>
    %logistic3A_71 = arith.divf %logistic3A_69, %logistic3A_70 : vector<128x512xf32>
    %mul3A_72 = arith.mulf %dot_general3A_57, %logistic3A_71 : vector<128x512xf32>
    %mul3A_73 = arith.mulf %mul3A_72, %dot_general3A_65 : vector<128x512xf32>
    %get3A_74 = arith.constant 1 : index
    %get3A_75 = arith.constant 0 : index
    %get3A_76 = arith.constant 0 : index
    %get3A_77 = arith.constant 0 : index
    %get3A_78 = vector.load %arg4[%get3A_74, %get3A_75, %get3A_76, %get3A_77] : memref<2x1x512x512xf32, #tpu.memory_space<vmem>>, vector<1x1x512x512xf32>
    %get3A_79 = vector.shape_cast %get3A_78 : vector<1x1x512x512xf32> to vector<512x512xf32>
    %dot_general3A_80 = arith.constant dense<0.000000e+00> : vector<128x512xf32>
    %dot_general3A_81 = tpu.matmul %mul3A_73, %get3A_79, %dot_general3A_80 {dimension_numbers = #tpu.dot_dimension_numbers<[1], [1], [0], [0], [0, 0, 1, 0], [], []>, transpose_lhs_hint = false} : vector<128x512xf32>, vector<512x512xf32>, vector<128x512xf32> -> vector<128x512xf32>
    %get3A_82 = arith.constant 1 : index
    %get3A_83 = arith.constant 0 : index
    %get3A_84 = arith.constant 0 : index
    %get3A_85 = arith.constant 0 : index
    %get3A_86 = vector.load %arg5[%get3A_82, %get3A_83, %get3A_84, %get3A_85] : memref<2x1x512x512xf32, #tpu.memory_space<vmem>>, vector<1x1x512x512xf32>
    %get3A_87 = vector.shape_cast %get3A_86 : vector<1x1x512x512xf32> to vector<512x512xf32>
    %dot_general3A_88 = arith.constant dense<0.000000e+00> : vector<128x512xf32>
    %dot_general3A_89 = tpu.matmul %mul3A_73, %get3A_87, %dot_general3A_88 {dimension_numbers = #tpu.dot_dimension_numbers<[1], [1], [0], [0], [0, 0, 1, 0], [], []>, transpose_lhs_hint = false} : vector<128x512xf32>, vector<512x512xf32>, vector<128x512xf32> -> vector<128x512xf32>
    %get3A_90 = arith.constant 1 : index
    %get3A_91 = arith.constant 0 : index
    %get3A_92 = arith.constant 0 : index
    %get3A_93 = vector.load %arg6[%get3A_90, %get3A_91, %get3A_92] : memref<2x128x1xf32, #tpu.memory_space<vmem>>, vector<1x128x1xf32>
    %get3A_94 = vector.shape_cast %get3A_93 : vector<1x128x1xf32> to vector<128x1xf32>
    %get3A_95 = arith.constant 0 : index
    %get3A_96 = arith.constant 0 : index
    %get3A_97 = vector.load %arg7[%get3A_95, %get3A_96] : memref<128x1024xf32, #tpu.memory_space<vmem>>, vector<128x512xf32>
    %mul3A_98 = vector.broadcast %get3A_94 : vector<128x1xf32> to vector<128x512xf32>
    %mul3A_99 = arith.mulf %mul3A_98, %dot_general3A_81 : vector<128x512xf32>
    %add3A = arith.addf %get3A_97, %mul3A_99 : vector<128x512xf32>
    %swap3A = arith.constant 0 : index
    %swap3A_100 = arith.constant 0 : index
    %swap3A_101 = vector.load %arg7[%swap3A, %swap3A_100] : memref<128x1024xf32, #tpu.memory_space<vmem>>, vector<128x512xf32>
    tpu.vector_store %arg7[%swap3A, %swap3A_100], %add3A {strides = array<i32>} : memref<128x1024xf32, #tpu.memory_space<vmem>>, vector<128x512xf32>,
    %get3A_102 = arith.constant 0 : index
    %get3A_103 = arith.constant 512 : index
    %get3A_104 = vector.load %arg7[%get3A_102, %get3A_103] : memref<128x1024xf32, #tpu.memory_space<vmem>>, vector<128x512xf32>
    %mul3A_105 = vector.broadcast %get3A_94 : vector<128x1xf32> to vector<128x512xf32>
    %mul3A_106 = arith.mulf %mul3A_105, %dot_general3A_89 : vector<128x512xf32>
    %add3A_107 = arith.addf %get3A_104, %mul3A_106 : vector<128x512xf32>
    %swap3A_108 = arith.constant 0 : index
    %swap3A_109 = arith.constant 512 : index
    %swap3A_110 = vector.load %arg7[%swap3A_108, %swap3A_109] : memref<128x1024xf32, #tpu.memory_space<vmem>>, vector<128x512xf32>
    tpu.vector_store %arg7[%swap3A_108, %swap3A_109], %add3A_107 {strides = array<i32>} : memref<128x1024xf32, #tpu.memory_space<vmem>>, vector<128x512xf32>,
    return
  }
  func.func @transform_0(%arg0: i32) -> (i32, i32) {
    %c0_i32 = arith.constant 0 : i32
    %c0_i32_0 = arith.constant 0 : i32
    %c0_i32_1 = arith.constant 0 : i32
    return %c0_i32, %c0_i32_0 : i32, i32
  }
  func.func @transform_1(%arg0: i32) -> (i32, i32, i32, i32) {
    %c0_i32 = arith.constant 0 : i32
    %c0_i32_0 = arith.constant 0 : i32
    %c0_i32_1 = arith.constant 0 : i32
    %c0_i32_2 = arith.constant 0 : i32
    return %arg0, %c0_i32, %c0_i32_0, %c0_i32_1 : i32, i32, i32, i32
  }
  func.func @transform_2(%arg0: i32) -> (i32, i32, i32, i32) {
    %c1_i32 = arith.constant 1 : i32
    %c0_i32 = arith.constant 0 : i32
    %c0_i32_0 = arith.constant 0 : i32
    %c0_i32_1 = arith.constant 0 : i32
    return %arg0, %c1_i32, %c0_i32, %c0_i32_0 : i32, i32, i32, i32
  }
  func.func @transform_3(%arg0: i32) -> (i32, i32, i32, i32) {
    %c0_i32 = arith.constant 0 : i32
    %c0_i32_0 = arith.constant 0 : i32
    %c0_i32_1 = arith.constant 0 : i32
    %c0_i32_2 = arith.constant 0 : i32
    return %arg0, %c0_i32, %c0_i32_0, %c0_i32_1 : i32, i32, i32, i32
  }
  func.func @transform_4(%arg0: i32) -> (i32, i32, i32, i32) {
    %c1_i32 = arith.constant 1 : i32
    %c0_i32 = arith.constant 0 : i32
    %c0_i32_0 = arith.constant 0 : i32
    %c0_i32_1 = arith.constant 0 : i32
    return %arg0, %c1_i32, %c0_i32, %c0_i32_0 : i32, i32, i32, i32
  }
  func.func @transform_5(%arg0: i32) -> (i32, i32, i32) {
    %c0_i32 = arith.constant 0 : i32
    %c0_i32_0 = arith.constant 0 : i32
    %c0_i32_1 = arith.constant 0 : i32
    return %arg0, %c0_i32, %c0_i32_0 : i32, i32, i32
  }
  func.func @transform_6(%arg0: i32) -> (i32, i32) {
    %c0_i32 = arith.constant 0 : i32
    %c0_i32_0 = arith.constant 0 : i32
    %c0_i32_1 = arith.constant 0 : i32
    return %c0_i32, %c0_i32_0 : i32, i32
  }
}

</mosaic_0001>

<sc_bundles>
// kernel: kernel.4.cloned.1.call-start
scs
__scs_entry_jumppad:
0x0: {  	(pc) =	sbr.rel $0x88, $3  }
0x1: {  	(tag) =	ssettag $0x0;
	lr =	simm.s32 $0x1  }
0x2: {  	[smem:$0x3F9C] =	sst lr;
	_ =	strace $0xD0000000  }
0x3: {  	_ = 	snop  }
0x4: {  	_ = 	snop  }
0x5: {  	_ = 	snop  }
0x6: {  	_ = 	snop  }
0x7: {  	_ = 	snop  }
__scs_overlays_trampoline_lowered:
0x8: {  	[smem:$0x3FAB] =	sst s0  }
0x9: {  	[smem:$0x3FAC] =	sst s1  }
0xa: {  	[smem:$0x3FAD] =	sst s2  }
0xb: {  	[smem:$0x3FAE] =	sst s3  }
0xc: {  	[smem:$0x3FAF] =	sst s4  }
0xd: {  	[smem:$0x3FB0] =	sst s5  }
0xe: {  	[smem:$0x3FB1] =	sst s6  }
0xf: {  	[smem:$0x3FB2] =	sst s7  }
0x10: {  	[smem:$0x3FB3] =	sst s8  }
0x11: {  	[smem:$0x3FB4] =	sst s9;
	s0 =	simm.s32 @!p0 $0x0  }
0x12: {  	s1 =	sld [smem:$0x3F9A];
	s0 =	simm.s32 @p0 $0x1  }
0x13: {  	[smem:$0x3FB5] =	sst s0;
	s0 =	simm.s32 @!p1 $0x0  }
0x14: {  	s2 =	sld [smem:$0x3F99];
	s0 =	simm.s32 @p1 $0x1  }
0x15: {  	[smem:$0x3FB6] =	sst s0;
	s0 =	simm.s32 @!p2 $0x0  }
0x16: {  	s3 =	sld [smem:$0x3FDB];
	s0 =	simm.s32 @p2 $0x1  }
0x17: {  	s4 =	simm.s32 $0x1BF5;
	[smem:$0x3FB8] =	sst s0  }
0x18: {  	s0 =	sld [smem:$0x3F9B];
	_ =	swait.ge [sflag:s4], $0x0  }
0x19: {  	s7 =	sld [smem:$0x3F9C]  }
0x1a: {  	s8 =	sadd.s32 $0xFFFFE003, lr  }
0x1b: {  	s9 =	sadd.s32 $0xFFFFFEF7, lr;
	s5 =	simm.s32 $0xFFFFFFFF;
	p2 =	slt.u32 s8, $0xFFFFF086  }
0x1c: {  	p1 =	slt.u32 s9, $0xF7A;
	s5 =	simm.s32 @!p2 $0x0  }
0x1d: {  	s5 =	simm.s32 @p1 $0x1;
	p0 =	seq.s32 s7, s2  }
0x1e: {  	s7 =	smul.u32 @!p0 $0xF7A, s2;
	p2 =	seq.s32 @!p0 s5, $0x0  }
0x1f: {  	s9 =	smul.u32 $0xF7A, s1;
	s8 =	simm.s32 @!p0 $0x1BF5;
	p2 =	por !p2, p0  }
0x20: {  	[sflag:s8] =	ssyncset.s32 @!p0 $0xFFFFF086;
	s6 =	sadd.s32 @!p0 s3, s7;
	s7 =	simm.s32 @!p0 $0x108  }
0x21: {  	s3 =	sadd.s32 s3, s9;
	s6 =	sadd.s32 @!p0 $0x88, s6;
	s7 =	simm.s32 @p2 $0x1082  }
0x22: {  	[simem:s7], [sflag:s8] =	dma.local @!p0 [hbm:s6], $0xF7A  }
0x23: {  	s9 =	sor.u32 $0xD0000000, s2;
	s6 =	simm.s32 $0x108;
	_ =	swait.ge @!p0 [sflag:s8], $0x0  }
0x24: {  	s3 =	sadd.s32 $0x88, s3;
	s6 =	simm.s32 @!p1 $0x1082;
	[sflag:s4] =	ssyncset.s32 $0xFFFFF086  }
0x25: {  	[simem:s6], [sflag:s4] =	dma.local [hbm:s3], $0xF7A  }
0x26: {  	[smem:$0x3F9C] =	sst s1;
	(tag) =	ssettag s2;
	_ =	strace s9  }
0x27: {  	s1 =	sld [smem:$0x3FAC]  }
0x28: {  	s2 =	sld [smem:$0x3FAD]  }
0x29: {  	s4 =	sld [smem:$0x3FAF]  }
0x2a: {  	p0 =	seq.s32 s5, $0x0;
	s5 =	sld [smem:$0x3FB0]  }
0x2b: {  	s6 =	sld [smem:$0x3FB1]  }
0x2c: {  	s7 =	sld [smem:$0x3FB2]  }
0x2d: {  	s3 =	simm.s32 $0x108;
	s8 =	sld [smem:$0x3FB3]  }
0x2e: {  	s3 =	simm.s32 @!p0 $0x1082;
	s9 =	sld [smem:$0x3FB4]  }
0x2f: {  	lr =	sadd.s32 s0, s3;
	s0 =	sld [smem:$0x3FAB]  }
0x30: {  	s3 =	sld [smem:$0x3FAE]  }
0x31: {  	[smem:$0x3FB7] =	sst s10  }
0x32: {  	s10 =	sld [smem:$0x3FB5];
	_ =	sdelay $0x3  }
0x33: {  	p0 =	seq.s32 s10, $0x1;
	s10 =	sld [smem:$0x3FB7];
	_ =	sdelay $0x3  }
0x34: {  	[smem:$0x3FB7] =	sst s10  }
0x35: {  	s10 =	sld [smem:$0x3FB6];
	_ =	sdelay $0x3  }
0x36: {  	p1 =	seq.s32 s10, $0x1;
	s10 =	sld [smem:$0x3FB7];
	_ =	sdelay $0x3  }
0x37: {  	[smem:$0x3FB7] =	sst s10  }
0x38: {  	s10 =	sld [smem:$0x3FB8]  }
0x39: {  	_ = 	snop;
	(pc) =	sbr.ind lr, $3  }
0x3a: {  	_ = 	snop  }
0x3b: {  	_ = 	snop  }
0x3c: {  	p2 =	seq.s32 s10, $0x1;
	s10 =	sld [smem:$0x3FB7]  }
0x3d: {  	_ =	shalt  }
0x3e: {  	_ =	shalt  }
0x3f: {  	_ =	shalt  }
0x40: {  	_ =	shalt  }
0x41: {  	_ =	shalt  }
0x42: {  	_ =	shalt  }
0x43: {  	_ =	shalt  }
0x44: {  	_ =	shalt  }
0x45: {  	_ =	shalt  }
0x46: {  	_ =	shalt  }
0x47: {  	_ =	shalt  }
0x48: {  	_ =	shalt  }
0x49: {  	_ =	shalt  }
0x4a: {  	_ =	shalt  }
0x4b: {  	_ =	shalt  }
0x4c: {  	_ =	shalt  }
0x4d: {  	_ =	shalt  }
0x4e: {  	_ =	shalt  }
0x4f: {  	_ =	shalt  }
0x50: {  	_ =	shalt  }
0x51: {  	_ =	shalt  }
0x52: {  	_ =	shalt  }
0x53: {  	_ =	shalt  }
0x54: {  	_ =	shalt  }
0x55: {  	_ =	shalt  }
0x56: {  	_ =	shalt  }
0x57: {  	_ =	shalt  }
0x58: {  	_ =	shalt  }
0x59: {  	_ =	shalt  }
0x5a: {  	_ =	shalt  }
0x5b: {  	_ =	shalt  }
0x5c: {  	_ =	shalt  }
0x5d: {  	_ =	shalt  }
0x5e: {  	_ =	shalt  }
0x5f: {  	_ =	shalt  }
0x60: {  	_ =	shalt  }
0x61: {  	_ =	shalt  }
0x62: {  	_ =	shalt  }
0x63: {  	_ =	shalt  }
0x64: {  	_ =	shalt  }
0x65: {  	_ =	shalt  }
0x66: {  	_ =	shalt  }
0x67: {  	_ =	shalt  }
0x68: {  	_ =	shalt  }
0x69: {  	_ =	shalt  }
0x6a: {  	_ =	shalt  }
0x6b: {  	_ =	shalt  }
0x6c: {  	_ =	shalt  }
0x6d: {  	_ =	shalt  }
0x6e: {  	_ =	shalt  }
0x6f: {  	_ =	shalt  }
0x70: {  	_ =	shalt  }
0x71: {  	_ =	shalt  }
0x72: {  	_ =	shalt  }
0x73: {  	_ =	shalt  }
0x74: {  	_ =	shalt  }
0x75: {  	_ =	shalt  }
0x76: {  	_ =	shalt  }
0x77: {  	_ =	shalt  }
0x78: {  	_ =	shalt  }
0x79: {  	_ =	shalt  }
0x7a: {  	_ =	shalt  }
0x7b: {  	_ =	shalt  }
0x7c: {  	_ =	shalt  }
0x7d: {  	_ =	shalt  }
0x7e: {  	_ =	shalt  }
0x7f: {  	_ =	shalt  }
0x80: {  	_ =	shalt  }
0x81: {  	_ =	shalt  }
0x82: {  	_ =	shalt  }
0x83: {  	_ =	shalt  }
0x84: {  	_ =	shalt  }
0x85: {  	_ =	shalt  }
0x86: {  	_ =	shalt  }
0x87: {  	_ =	shalt  }
.Lfunc_end0:
.L_simem_size_0:
called_computation_lowered:
.L_overlay_start_0:
0x88: {  	s2 =	sld [smem:$0x3FD9]  }
0x89: {  	s3 =	sld [smem:$0x3FFE];
	_ =	sdelay $0x1  }
0x8a: {  	s1 =	srdreg.scid  }
0x8b: {  	s0 =	sand.u32 $0x1, s1  }
0x8c: {  	s17 =	sshll.u32 s0, $0xA;
	s2 =	sadd.s32 s3, s2  }
0x8d: {  	s2 =	sadd.s32 s2, s17  }
0x8e: {  	[smem:$0x3FC3] =	sst s2  }
0x8f: {  	_ = 	snop  }
0x90: {  	s2 =	sld [smem:$0x3FD0];
	(tm) =	ssettm $0x1  }
0x91: {  	s18 =	sld [smem:$0x3FFB];
	_ =	sdelay $0x3  }
0x92: {  	_ =	strace s18  }
0x93: {  	s3 =	sld [smem:$0x3FFC];
	_ =	sdelay $0x3  }
0x94: {  	_ =	strace s3  }
0x95: {  	s3 =	sld [smem:$0x3FFD];
	_ =	sdelay $0x3  }
0x96: {  	_ =	strace s3  }
0x97: {  	_ =	strace $0x8FFFFFFF  }
0x98: {  	s19 =	sld [smem:$0x3FDB];
	_ =	sdelay $0x1  }
0x99: {  	s4 =	simm.s32 $_scs_section_size  }
0x9a: {  	s5 =	simm.s32 $_size__tile_overlayer_lowered;
	s6 =	simm.s32 $_tile_overlayer_lowered  }
0x9b: {  	s22 =	simm.s32 $0x1BFF;
	s21 =	sshll.u32 s6, $0x1;
	s3 =	sadd.s32 s4, s19  }
0x9c: {  	s7 =	simm.s32 $0x0;
	s20 =	sshll.u32 s5, $0x1;
	s5 =	sadd.s32 s21, s3  }
0x9d: {  	[timem:s7], [sflag:s22] =	dma.local [hbm:s5], s20  }
0x9e: {  	_ =	swait.ge [sflag:s22], s20  }
0x9f: {  	s4 =	ssub.s32 $0x0, s20;
	[sflag:s22] =	ssyncset.done $0x0  }
0xa0: {  	[sflag:s22] =	ssyncadd.s32 s4;
	_ =	sdelay $0x1  }
0xa1: {  	s23 =	simm.s32 $0x1B8B  }
0xa2: {  	_ =	swait.ge [sflag:s23], $0x1  }
0xa3: {  	[sflag:s23] =	ssyncset.done $0x0  }
0xa4: {  	s25 =	simm.s32 $0x1B8E;
	s24 =	sld [smem:$0x3FFE];
	[sflag:s23] =	ssyncadd.s32 $0xFFFFFFFF  }
0xa5: {  	s26 =	simm.s32 $execute0_lowered;
	[smem:$0x3FD2] =	sst s25  }
0xa6: {  	s5 =	sshll.u32 s26, $0x1;
	_ =	strace $0x80000046;
	[dreg:$0x1] =	wrdreg $0xFFFFFFFF  }
0xa7: {  	s28 =	simm.s32 $_size_execute0_lowered;
	s3 =	sadd.s32 s3, s5;
	[dreg:$0x0] =	wrdreg $0x0  }
0xa8: {  	s5 =	sshll.u32 s28, $0x1;
	[dreg:$0x2] =	wrdreg s3  }
0xa9: {  	[dreg:$0x3] =	wrdreg s5  }
0xaa: {  	[dreg:$0x4] =	wrdreg $0xC0  }
0xab: {  	_ =	task [dreg:s7], $0x5FFFF  }
0xac: {  	[dreg:$0x1] =	wrdreg $0xFFFFFFFF  }
0xad: {  	[dreg:$0x0] =	wrdreg $0x60  }
0xae: {  	[dreg:$0x2] =	wrdreg s24  }
0xaf: {  	[dreg:$0x3] =	wrdreg s2  }
0xb0: {  	[dreg:$0x4] =	wrdreg $0x2800  }
0xb1: {  	[dreg:$0x5] =	wrdreg $0x9  }
0xb2: {  	_ =	task.clear_ibuf [dreg:s7], $0x6FFFF;
	_ =	strace $0x90000046  }
0xb3: {  	s29 =	simm.s32 $0x9;
	_ =	strace $0x80000048  }
0xb4: {  	_ =	swait.ge [sflag:s29], $0x1  }
0xb5: {  	[sflag:s29] =	ssyncadd.s32 $0xFFFFFFFF  }
0xb6: {  	_ =	strace $0x90000048  }
0xb7: {  	_ =	sfence  }
0xb8: {  	s30 =	sld [smem:$0x0];
	_ =	sdelay $0x2  }
0xb9: {  	s31 =	sshll.u32 s1, $0xD;
	s1 =	sshrl.u32 s1, $0x2  }
0xba: {  	s3 =	sand.u32 $0x4000, s31;
	s1 =	sadd.s32 s1, s30  }
0xbb: {  	s0 =	sor.u32 s3, s0;
	s1 =	sshll.u32 s1, $0x11  }
0xbc: {  	s0 =	sor.u32 s1, s0  }
0xbd: {  	s0 =	sadd.s32 $0x8F2B, s0  }
0xbe: {  	[sflag:s0] =	ssyncadd.remote.s32 $0x1  }
0xbf: {  	_ =	sfence.sel $0xFFFF  }
0xc0: {  	[dreg:$0x0] =	wrdreg $0xFFFFFFFF;
	(pc) =	sbr.abs _section_cstart, $3  }
0xc1: {  	[dreg:$0x1] =	wrdreg $0xFFFFFFFF  }
0xc2: {  	_ =	task.clear_ibuf [dreg:s7], $0x2FFFF;
	_ =	strace $0x9FFFFFFF  }
0xc3: {  	(tm) =	ssettm $0x7FFFFFFF  }
tec
execute0_lowered:
.L_overlay_start_1:
0x0: {  	(tag) =	ssettag $0x1  }
0x1: {  	s3 =	rddreg [dreg:$0x0]  }
0x2: {  	s1 =	srdreg.scid;
	s0 =	stileid.u32  }
0x3: {  	s8 =	rddreg [dreg:$0x1];
	s9 =	sand.u32 $0x1, s1;
	s30 =	sshll.u32 s0, $0x1  }
0x4: {  	s2 =	rddreg [dreg:$0x2];
	s10 =	sor.u32 s9, s30  }
0x5: {  	s4 =	simm.s32 $0x0;
	s1 =	rddreg [dreg:$0x3];
	s5 =	sshll.u32 s10, $0x2  }
0x6: {  	[smem:$0x7FF] =	sst s4;
	s6 =	sadd.s32 s5, s3  }
0x7: {  	_ =	strace $0x80000047;
	s3 =	simm.s32 $0x1;
	s5 =	sadd.s32 $0x800, s6  }
0x8: {  	[tilespmem:s4], [sflag:$0x1] =	stream.linear.gather [hbm4b:s5+s4], $0x20, $0x38;
	[tilespmem:$0x380] =	vst v63  }
0x9: {  	_ =	swait.ge [sflag:s3], $0x20  }
0xa: {  	[sflag:s3] =	ssyncset.done $0x0  }
0xb: {  	s7 =	sadd.s32 $0x600, s6;
	s6 =	simm.s32 $0x80;
	[sflag:s3] =	ssyncadd.s32 $0xFFFFFFE0  }
0xc: {  	[tilespmem:s6], [sflag:$0x1] =	stream.linear.gather [hbm4b:s7+s4], $0x20, $0x38;
	[tilespmem:$0x380] =	vst v63  }
0xd: {  	_ =	swait.ge [sflag:s3], $0x20  }
0xe: {  	[sflag:s3] =	ssyncset.done $0x0  }
0xf: {  	v0 =	vimm.f32 $0.0e+00;
	[sflag:s3] =	ssyncadd.s32 $0xFFFFFFE0  }
0x10: {  	[tilespmem:$0x1D0] =	vst v0  }
0x11: {  	[tilespmem:$0x270] =	vst v0  }
0x12: {  	[tilespmem:$0x260] =	vst v0  }
0x13: {  	[tilespmem:$0x250] =	vst v0  }
0x14: {  	[tilespmem:$0x240] =	vst v0  }
0x15: {  	[tilespmem:$0x230] =	vst v0  }
0x16: {  	[tilespmem:$0x220] =	vst v0  }
0x17: {  	[tilespmem:$0x210] =	vst v0  }
0x18: {  	s9 =	ssub.s32 $0x2, s9;
	[tilespmem:$0x200] =	vst v0  }
0x19: {  	s11 =	sshll.u32 s0, $0x2;
	s31 =	sshrl.u32 s9, $0x1;
	[tilespmem:$0x1F0] =	vst v0  }
0x1a: {  	v1 =	vlaneseq.u32;
	v2 =	vmov s11;
	s11 =	ssub.s32 s9, s31;
	v3 =	vld [tilespmem:$0x0];
	[tilespmem:$0x1C0] =	vst v0  }
0x1b: {  	v1 =	vshrl.u32 v1, $0x3;
	s15 =	smax.u32 s11, $0x1;
	v4 =	vld [tilespmem:$0x10];
	[tilespmem:$0x1B0] =	vst v0  }
0x1c: {  	v5 =	vmul.u32 $0x40, v1;
	p0 =	sne.s32 s15, $0x1;
	[tilespmem:$0x1A0] =	vst v0  }
.Ltmp0:
0x1d: {  	v2 =	vshll.u32 v2, $0x6;
	[tilespmem:$0x190] =	vst v0;
	(pc) =	sbr.rel @!p0 .LBB2_2-.Ltmp0, $4  }
0x1e: {  	s12 =	sshll.u32 s0, $0x8;
	s13 =	sshll.u32 s0, $0x6;
	v1 =	vor.u32 v5, v2;
	v5 =	vor.u32 $0x80, v5;
	[tilespmem:$0x180] =	vst v0  }
0x1f: {  	s13 =	sor.u32 $0x1C01, s13;
	s10 =	sshll.u32 s10, $0x5;
	s9 =	sadd.s32 s12, s2;
	v2 =	vor.u32 v5, v2;
	[tilespmem:$0x1E0] =	vst v0;
	v3 =	vadd.s32 v1, v3  }
0x20: {  	s8 =	sadd.s32 s8, s10;
	s10 =	simm.s32 $0x20;
	s12 =	simm.s32 $0x100;
	v4 =	vadd.s32 v2, v4;
	[tilespmem:$0x100] =	vst v3  }
0x21: {  	s11 =	simm.s32 $0x180;
	s14 =	sshrl.u32 s9, $0x3;
	s15 =	sadd.s32 $0xFFFFFFFF, s15;
	[tilespmem:$0x110] =	vst v4  }
.LBB2_1:
0x22: {  	[spmem:s9] =	stream.linear.scatter [tilespmem:s11], [sflag:$0x1], $0x100, $0x38;
	[tilespmem:$0x380] =	vst v63  }
0x23: {  	p0 =	sne.s32 s15, $0x1;
	s15 =	sadd.s32 $0xFFFFFFFF, s15;
	_ =	swait.ge [sflag:s3], $0x100  }
0x24: {  	[sflag:s3] =	ssyncset.done $0x0  }
0x25: {  	[sflag:s3] =	ssyncadd.s32 $0xFFFFFF00  }
0x26: {  	[spmem:s2] =	stream.indirect.scatter.add.f32 [tilespmem:s6], [sflag:$0x1], $0x1, s12, s10, $0xb8;
	[tilespmem:$0x380] =	vst v63  }
0x27: {  	_ =	swait.ge [sflag:s3], $0x20  }
0x28: {  	[sflag:s3] =	ssyncset.done $0x0  }
0x29: {  	[sflag:s3] =	ssyncadd.s32 $0xFFFFFFE0  }
0x2a: {  	[hbm:s8], [sflag:s13] =	dma.local [spmem:s14], $0x20  }
0x2b: {  	_ =	swait.ge [sflag:s3], $0x20  }
0x2c: {  	[sflag:s3] =	ssyncset.done $0x0  }
0x2d: {  	[sflag:s3] =	ssyncadd.s32 $0xFFFFFFE0  }
0x2e: {  	[tilespmem:s4], [sflag:$0x1] =	stream.linear.gather [hbm4b:s5+s4], $0x20, $0x38;
	[tilespmem:$0x380] =	vst v63  }
0x2f: {  	_ =	swait.ge [sflag:s3], $0x20  }
0x30: {  	[sflag:s3] =	ssyncset.done $0x0  }
0x31: {  	[sflag:s3] =	ssyncadd.s32 $0xFFFFFFE0  }
0x32: {  	[tilespmem:s6], [sflag:$0x1] =	stream.linear.gather [hbm4b:s7+s4], $0x20, $0x38;
	[tilespmem:$0x380] =	vst v63  }
0x33: {  	_ =	swait.ge [sflag:s3], $0x20  }
0x34: {  	[sflag:s3] =	ssyncset.done $0x0  }
0x35: {  	[sflag:s3] =	ssyncadd.s32 $0xFFFFFFE0  }
0x36: {  	v3 =	vld [tilespmem:$0x0];
	[tilespmem:$0x1D0] =	vst v0  }
0x37: {  	v4 =	vld [tilespmem:$0x10];
	[tilespmem:$0x270] =	vst v0  }
0x38: {  	[tilespmem:$0x260] =	vst v0  }
0x39: {  	[tilespmem:$0x250] =	vst v0  }
0x3a: {  	[tilespmem:$0x240] =	vst v0  }
0x3b: {  	v3 =	vadd.s32 v1, v3;
	[tilespmem:$0x230] =	vst v0  }
0x3c: {  	v4 =	vadd.s32 v2, v4;
	[tilespmem:$0x220] =	vst v0  }
0x3d: {  	[tilespmem:$0x210] =	vst v0  }
0x3e: {  	[tilespmem:$0x200] =	vst v0  }
0x3f: {  	[tilespmem:$0x1F0] =	vst v0  }
0x40: {  	[tilespmem:$0x1C0] =	vst v0  }
0x41: {  	[tilespmem:$0x1B0] =	vst v0  }
0x42: {  	[tilespmem:$0x1A0] =	vst v0  }
.Ltmp1:
0x43: {  	[tilespmem:$0x190] =	vst v0;
	(pc) =	sbr.rel @p0 .LBB2_1-.Ltmp1, $4  }
0x44: {  	[tilespmem:$0x180] =	vst v0  }
0x45: {  	[tilespmem:$0x100] =	vst v3  }
0x46: {  	[tilespmem:$0x110] =	vst v4  }
0x47: {  	[tilespmem:$0x1E0] =	vst v0  }
.LBB2_2:
0x48: {  	[spmem:s9] =	stream.linear.scatter [tilespmem:s11], [sflag:$0x1], $0x100, $0x38;
	[tilespmem:$0x380] =	vst v63  }
0x49: {  	_ =	swait.ge [sflag:s3], $0x100  }
0x4a: {  	[sflag:s3] =	ssyncset.done $0x0  }
0x4b: {  	[sflag:s3] =	ssyncadd.s32 $0xFFFFFF00  }
0x4c: {  	[spmem:s2] =	stream.indirect.scatter.add.f32 [tilespmem:s6], [sflag:$0x1], $0x1, s12, s10, $0xb8;
	[tilespmem:$0x380] =	vst v63  }
0x4d: {  	_ =	swait.ge [sflag:s3], $0x20  }
0x4e: {  	[sflag:s3] =	ssyncset.done $0x0  }
0x4f: {  	[sflag:s3] =	ssyncadd.s32 $0xFFFFFFE0  }
0x50: {  	[hbm:s8], [sflag:s13] =	dma.local [spmem:s14], $0x20  }
0x51: {  	_ =	swait.ge [sflag:s3], $0x20  }
0x52: {  	[sflag:s3] =	ssyncset.done $0x0  }
0x53: {  	[sflag:s3] =	ssyncadd.s32 $0xFFFFFFE0  }
0x54: {  	_ =	sfence.sel $0x180000  }
0x55: {  	[bflag:$0x0] =	sbarrier.arrive $0xFFFF  }
0x56: {  	p0 =	sne.s32 s0, $0x0;
	_ =	strace $0x90000047  }
0x57: {  	s0 =	sadd.s32 @!p0 $0x100000, s1;
	[bflag:$0x2] =	sbarrier.arrive $0xFFFF  }
0x58: {  	[sflag:s0] =	ssyncadd.tile.s32 @!p0 $0x1;
	_ =	shalt  }
.Lfunc_end2:
_tile_overlayer_lowered:
.L_overlay_start_2:
0x59: {  	(tag) =	ssettag $0x2  }
0x5a: {  	s0 =	rddreg [dreg:$0x0];
	s2 =	stileid.u32  }
0x5b: {  	s1 =	rddreg [dreg:$0x1];
	p0 =	sne.s32 s2, $0x0  }
0x5c: {  	s3 =	rddreg [dreg:$0x2];
	[bflag:$0x3] =	sbarrier.arrive $0xFFFF;
	s2 =	simm.s32 @!p0 $0x1C01  }
0x5d: {  	[timem:s3], [sflag:s2] =	dma.local @!p0 [hbm:s0], s1  }
0x5e: {  	s0 =	simm.s32 @!p0 $0x1  }
0x5f: {  	_ =	swait.ge @!p0 [sflag:s0], s1  }
0x60: {  	s1 =	ssub.s32 @!p0 $0x0, s1;
	[sflag:s0] =	ssyncset.done @!p0 $0x0  }
0x61: {  	[sflag:s0] =	ssyncadd.s32 @!p0 s1  }
0x62: {  	[bflag:$0x3] =	sbarrier.arrive $0xFFFF  }
0x63: {  	_ =	shalt  }

</sc_bundles>
